<compile_context>
chip_gen: v7x
topology: tpu7x:2x2x1
jax: 0.10.2.dev20260603
libtpu: 0.0.44.dev20260713+nightly
codegen_flags: <defaults>
</compile_context>

<pallas_src>
import functools

import jax
import jax.numpy as jnp
from jax import lax
from jax.experimental import pallas as pl
from jax.experimental.pallas import tpu as pltpu
from jax.experimental.pallas import tpu_sc as plsc

_E = 64
_K = 8
_NC = 2
_NS = 16
_L = 16


def _mm_body(x_ref, w_ref, lt_ref):
    x = x_ref[...]
    w = w_ref[...]
    lt_ref[...] = lax.dot_general(
        w, x, (((1,), (1,)), ((), ())), preferred_element_type=jnp.float32
    )


def _tc_logits(x, gate_W):
    tokens, dim = x.shape
    bt = 4096
    return pl.pallas_call(
        _mm_body,
        grid=(tokens // bt,),
        in_specs=[
            pl.BlockSpec((bt, dim), lambda i: (i, 0)),
            pl.BlockSpec((_E, dim), lambda i: (0, 0)),
        ],
        out_specs=pl.BlockSpec((_E, bt), lambda i: (0, i)),
        out_shape=jax.ShapeDtypeStruct((_E, tokens), jnp.float32),
        compiler_params=pltpu.CompilerParams(
            dimension_semantics=("parallel",),
        ),
    )(x, gate_W)


def _sc_topk_call(lt):
    tokens = lt.shape[1]
    tpw = tokens // (_NC * _NS)
    ngrp = tpw // _L
    mesh = plsc.VectorSubcoreMesh(core_axis_name="c", subcore_axis_name="s")

    @functools.partial(
        pl.kernel,
        mesh=mesh,
        out_type=[
            jax.ShapeDtypeStruct((_K, tokens), jnp.float32),
            jax.ShapeDtypeStruct((_K, tokens), jnp.int32),
        ],
        scratch_types=[
            pltpu.VMEM((_E, tpw), jnp.float32),
            pltpu.VMEM((_K, tpw), jnp.float32),
            pltpu.VMEM((_K, tpw), jnp.int32),
        ],
    )
    def _sc_topk(lt_hbm, wts_hbm, idx_hbm, lt_v, w_v, i_v):
        wid = lax.axis_index("s") * _NC + lax.axis_index("c")
        base = wid * tpw
        pltpu.sync_copy(lt_hbm.at[:, pl.ds(base, tpw)], lt_v)

        def group_body(g, _):
            gb = g * _L
            neg = jnp.full((_L,), -jnp.inf, jnp.float32)

            def round_body(j, carry):
                pv, pi = carry

                def expert_body(e, acc):
                    bm, bi = acc
                    v = lt_v[e, pl.ds(gb, _L)]
                    ef = jnp.full((_L,), 1.0, jnp.float32) * e.astype(jnp.float32)
                    elig = (v < pv) | ((v == pv) & (ef > pi))
                    cand = jnp.where(elig, v, neg)
                    upd = cand > bm
                    return (jnp.where(upd, cand, bm), jnp.where(upd, ef, bi))

                bm0 = neg
                bi0 = jnp.full((_L,), -1.0, jnp.float32)
                bm, bi = lax.fori_loop(0, _E, expert_body, (bm0, bi0))
                w_v[j, pl.ds(gb, _L)] = bm
                i_v[j, pl.ds(gb, _L)] = bi.astype(jnp.int32)
                return (bm, bi)

            inf0 = jnp.full((_L,), jnp.inf, jnp.float32)
            lax.fori_loop(0, _K, round_body, (inf0, jnp.full((_L,), -1.0, jnp.float32)))

            m = w_v[0, pl.ds(gb, _L)]
            es = []
            tot = jnp.full((_L,), 0.0, jnp.float32)
            for j in range(_K):
                ej = jnp.exp(w_v[j, pl.ds(gb, _L)] - m)
                es.append(ej)
                tot = tot + ej
            for j in range(_K):
                w_v[j, pl.ds(gb, _L)] = es[j] / tot
            return 0

        lax.fori_loop(0, ngrp, group_body, 0)
        pltpu.sync_copy(w_v, wts_hbm.at[:, pl.ds(base, tpw)])
        pltpu.sync_copy(i_v, idx_hbm.at[:, pl.ds(base, tpw)])

    return _sc_topk(lt)


def kernel(x, gate_W):
    lt = _tc_logits(x, gate_W)
    wts_t, idx_t = _sc_topk_call(lt)
    return wts_t.T, idx_t.T

# --- scband reference (transcript-rebuilt; emitter-appended) ---
"""Pipeline reference for scband-mix-lora-gate-10015863734801 (READ-ONLY COPY).

The authoritative reference and input builder live on the scoring server;
editing this copy changes nothing except your own understanding.
"""

import jax, jax.numpy as jnp
import numpy as np

NUM_EXPERTS = 64
TOP_K = 8
DIM = 768
TOKENS = 32768

def setup_inputs(seed: int = 0) -> dict:
    key = jax.random.key(seed)
    kx, kw = jax.random.split(key)
    x = jax.random.normal(kx, (TOKENS, DIM), dtype=jnp.float32)
    # nn.Linear(dim, num_experts, bias=False) weight: [num_experts, dim]
    bound = 1.0 / np.sqrt(DIM)
    gate_W = jax.random.uniform(kw, (NUM_EXPERTS, DIM), dtype=jnp.float32, minval=-bound, maxval=bound)
    return {"x": x, "gate_W": gate_W}

def reference(x, gate_W):
    # gate_logits = self.gate(x)
    gate_logits = x @ gate_W.T  # [tokens, num_experts]
    # weights, selected_experts = torch.topk(gate_logits, num_experts_per_tok)
    weights, selected_experts = jax.lax.top_k(gate_logits, TOP_K)
    # weights = F.softmax(weights, dim=1, dtype=torch.float).to(x.dtype)
    weights = jax.nn.softmax(weights.astype(jnp.float32), axis=1).astype(x.dtype)
    return (weights, selected_experts)

if __name__ == "__main__":
    import jax
    _d = setup_inputs()
    print(jax.jit(kernel)(*tuple(_d.values())))

</pallas_src>

<mosaic_0001>
#map = affine_map<(d0, d1) -> (0, 0)>
module attributes {stable_mosaic.version = 14 : i64} {
  func.func @_sc_topk(%arg0: i32, %arg1: i32, %arg2: memref<64x32768xf32, #tpu.memory_space<hbm>>, %arg3: memref<8x32768xf32, #tpu.memory_space<hbm>>, %arg4: memref<8x32768xi32, #tpu.memory_space<hbm>>, %arg5: memref<64x1024xf32, #tpu.memory_space<vmem>>, %arg6: memref<8x1024xf32, #tpu.memory_space<vmem>>, %arg7: memref<8x1024xi32, #tpu.memory_space<vmem>>) attributes {dimension_semantics = [#tpu.dimension_semantics<core_parallel>, #tpu.dimension_semantics<subcore_parallel>], iteration_bounds = array<i64: 2, 16>, scalar_prefetch = 0 : i64, scratch_operands = 3 : i64, tpu.core_type = #tpu.core_type<sc_vector_subcore>, window_params = [{transform_indices = #map}, {transform_indices = #map}, {transform_indices = #map}]} {
    %mul3A = arith.constant 2 : i32
    %mul3A_0 = arith.muli %arg1, %mul3A : i32
    %add3A = arith.addi %mul3A_0, %arg0 : i32
    %mul3A_1 = arith.constant 1024 : i32
    %mul3A_2 = arith.muli %add3A, %mul3A_1 : i32
    "tpu.region"() ({
      %run_scoped3A = tpu.sem_alloc : memref<!tpu.dma_semaphore, #tpu.memory_space<semaphore_mem>>
      %dma_start3A = arith.constant 0 : i32
      %dma_start3A_9 = tpu.memref_slice %arg2[%dma_start3A, %mul3A_2] : memref<64x32768xf32, #tpu.memory_space<hbm>> -> memref<64x1024xf32, #tpu.memory_space<hbm>>
      %dma_start3A_10 = arith.constant 0 : i32
      %dma_start3A_11 = tpu.memref_slice %arg2[%dma_start3A_10, %mul3A_2] : memref<64x32768xf32, #tpu.memory_space<hbm>> -> memref<64x1024xf32, #tpu.memory_space<hbm>>
      tpu.enqueue_dma source(%dma_start3A_11 : memref<64x1024xf32, #tpu.memory_space<hbm>>) target(%arg5 : memref<64x1024xf32, #tpu.memory_space<vmem>>) target_semaphore(%run_scoped3A : memref<!tpu.dma_semaphore, #tpu.memory_space<semaphore_mem>>)
      %dma_wait3A = arith.constant 0 : i32
      %dma_wait3A_12 = tpu.memref_slice %arg2[%dma_wait3A, %mul3A_2] : memref<64x32768xf32, #tpu.memory_space<hbm>> -> memref<64x1024xf32, #tpu.memory_space<hbm>>
      %dma_wait3A_13 = arith.constant 0 : i32
      %dma_wait3A_14 = tpu.memref_slice %arg2[%dma_wait3A_13, %mul3A_2] : memref<64x32768xf32, #tpu.memory_space<hbm>> -> memref<64x1024xf32, #tpu.memory_space<hbm>>
      tpu.wait_dma2 semaphore(%run_scoped3A : memref<!tpu.dma_semaphore, #tpu.memory_space<semaphore_mem>>) src(%dma_wait3A_14 : memref<64x1024xf32, #tpu.memory_space<hbm>>) dst(%arg5 : memref<64x1024xf32, #tpu.memory_space<vmem>>)
      tpu.yield
    }) : () -> ()
    %scan3A = arith.constant 0 : i32
    %scan3A_3 = arith.constant 0 : i32
    %scan3A_4 = arith.constant 64 : i32
    %scan3A_5 = arith.addi %scan3A_3, %scan3A_4 : i32
    %scan3A_6 = arith.constant 1 : i32
    %scan3A_7 = scf.for %scan3A_9 = %scan3A_3 to %scan3A_5 step %scan3A_6 iter_args(%scan3A_10 = %scan3A) -> (i32)  : i32 {
      %mul3A_11 = arith.constant 16 : i32
      %mul3A_12 = arith.muli %scan3A_9, %mul3A_11 : i32
      %broadcast_in_dim3A = arith.constant 0xFF800000 : f32
      %broadcast_in_dim3A_13 = vector.broadcast %broadcast_in_dim3A : f32 to vector<16xf32>
      %broadcast_in_dim3A_14 = arith.constant 0x7F800000 : f32
      %broadcast_in_dim3A_15 = vector.broadcast %broadcast_in_dim3A_14 : f32 to vector<16xf32>
      %broadcast_in_dim3A_16 = arith.constant -1.000000e+00 : f32
      %broadcast_in_dim3A_17 = vector.broadcast %broadcast_in_dim3A_16 : f32 to vector<16xf32>
      %scan3A_18 = arith.constant 0 : i32
      %scan3A_19 = arith.constant 8 : i32
      %scan3A_20 = arith.addi %scan3A_18, %scan3A_19 : i32
      %scan3A_21 = arith.constant 1 : i32
      %scan3A_22:2 = scf.for %scan3A_147 = %scan3A_18 to %scan3A_20 step %scan3A_21 iter_args(%scan3A_148 = %broadcast_in_dim3A_15, %scan3A_149 = %broadcast_in_dim3A_17) -> (vector<16xf32>, vector<16xf32>)  : i32 {
        %broadcast_in_dim3A_150 = arith.constant -1.000000e+00 : f32
        %broadcast_in_dim3A_151 = vector.broadcast %broadcast_in_dim3A_150 : f32 to vector<16xf32>
        %scan3A_152 = arith.constant 0 : i32
        %scan3A_153 = arith.constant 64 : i32
        %scan3A_154 = arith.addi %scan3A_152, %scan3A_153 : i32
        %scan3A_155 = arith.constant 1 : i32
        %scan3A_156:2 = scf.for %scan3A_168 = %scan3A_152 to %scan3A_154 step %scan3A_155 iter_args(%scan3A_169 = %broadcast_in_dim3A_13, %scan3A_170 = %broadcast_in_dim3A_151) -> (vector<16xf32>, vector<16xf32>)  : i32 {
          %get3A_171 = arith.index_cast %scan3A_168 : i32 to index
          %get3A_172 = arith.index_cast %mul3A_12 : i32 to index
          %get3A_173 = tpu.vector_load %arg5[%get3A_171, %get3A_172] {strides = array<i32>} : memref<64x1024xf32, #tpu.memory_space<vmem>>, vector<1x16xf32>,
          %get3A_174 = vector.shape_cast %get3A_173 : vector<1x16xf32> to vector<16xf32>
          %broadcast_in_dim3A_175 = arith.constant 1.000000e+00 : f32
          %broadcast_in_dim3A_176 = vector.broadcast %broadcast_in_dim3A_175 : f32 to vector<16xf32>
          %convert_element_type3A_177 = arith.sitofp %scan3A_168 : i32 to f32
          %mul3A_178 = vector.broadcast %convert_element_type3A_177 : f32 to vector<16xf32>
          %mul3A_179 = arith.mulf %broadcast_in_dim3A_176, %mul3A_178 : vector<16xf32>
          %lt3A = arith.cmpf olt, %get3A_174, %scan3A_148 : vector<16xf32>
          %eq3A = arith.cmpf oeq, %get3A_174, %scan3A_148 : vector<16xf32>
          %gt3A = arith.cmpf ogt, %mul3A_179, %scan3A_149 : vector<16xf32>
          %and3A = arith.andi %eq3A, %gt3A : vector<16xi1>
          %or3A = arith.ori %lt3A, %and3A : vector<16xi1>
          %select_n3A = arith.select %or3A, %get3A_174, %broadcast_in_dim3A_13 : vector<16xi1>, vector<16xf32>
          %gt3A_180 = arith.cmpf ogt, %select_n3A, %scan3A_169 : vector<16xf32>
          %select_n3A_181 = arith.select %gt3A_180, %select_n3A, %scan3A_169 : vector<16xi1>, vector<16xf32>
          %select_n3A_182 = arith.select %gt3A_180, %mul3A_179, %scan3A_170 : vector<16xi1>, vector<16xf32>
          scf.yield %select_n3A_181, %select_n3A_182 : vector<16xf32>, vector<16xf32>
        }
        %scan3A_157 = arith.constant 64 : i32
        %swap3A_158 = arith.index_cast %scan3A_147 : i32 to index
        %swap3A_159 = arith.index_cast %mul3A_12 : i32 to index
        %swap3A_160 = tpu.vector_load %arg6[%swap3A_158, %swap3A_159] {strides = array<i32>} : memref<8x1024xf32, #tpu.memory_space<vmem>>, vector<1x16xf32>,
        %swap3A_161 = vector.shape_cast %swap3A_160 : vector<1x16xf32> to vector<16xf32>
        %swap3A_162 = vector.shape_cast %scan3A_156#0 : vector<16xf32> to vector<1x16xf32>
        tpu.vector_store %arg6[%swap3A_158, %swap3A_159], %swap3A_162 {strides = array<i32>} : memref<8x1024xf32, #tpu.memory_space<vmem>>, vector<1x16xf32>,
        %convert_element_type3A = arith.fptosi %scan3A_156#1 : vector<16xf32> to vector<16xi32>
        %swap3A_163 = arith.index_cast %scan3A_147 : i32 to index
        %swap3A_164 = arith.index_cast %mul3A_12 : i32 to index
        %swap3A_165 = tpu.vector_load %arg7[%swap3A_163, %swap3A_164] {strides = array<i32>} : memref<8x1024xi32, #tpu.memory_space<vmem>>, vector<1x16xi32>,
        %swap3A_166 = vector.shape_cast %swap3A_165 : vector<1x16xi32> to vector<16xi32>
        %swap3A_167 = vector.shape_cast %convert_element_type3A : vector<16xi32> to vector<1x16xi32>
        tpu.vector_store %arg7[%swap3A_163, %swap3A_164], %swap3A_167 {strides = array<i32>} : memref<8x1024xi32, #tpu.memory_space<vmem>>, vector<1x16xi32>,
        scf.yield %scan3A_156#0, %scan3A_156#1 : vector<16xf32>, vector<16xf32>
      }
      %scan3A_23 = arith.constant 8 : i32
      %get3A = arith.constant 0 : i32
      %get3A_24 = arith.index_cast %get3A : i32 to index
      %get3A_25 = arith.index_cast %mul3A_12 : i32 to index
      %get3A_26 = tpu.vector_load %arg6[%get3A_24, %get3A_25] {strides = array<i32>} : memref<8x1024xf32, #tpu.memory_space<vmem>>, vector<1x16xf32>,
      %get3A_27 = vector.shape_cast %get3A_26 : vector<1x16xf32> to vector<16xf32>
      %broadcast_in_dim3A_28 = arith.constant 0.000000e+00 : f32
      %broadcast_in_dim3A_29 = vector.broadcast %broadcast_in_dim3A_28 : f32 to vector<16xf32>
      %get3A_30 = arith.constant 0 : i32
      %get3A_31 = arith.index_cast %get3A_30 : i32 to index
      %get3A_32 = arith.index_cast %mul3A_12 : i32 to index
      %get3A_33 = tpu.vector_load %arg6[%get3A_31, %get3A_32] {strides = array<i32>} : memref<8x1024xf32, #tpu.memory_space<vmem>>, vector<1x16xf32>,
      %get3A_34 = vector.shape_cast %get3A_33 : vector<1x16xf32> to vector<16xf32>
      %sub3A = arith.subf %get3A_34, %get3A_27 : vector<16xf32>
      %exp3A = math.exp %sub3A : vector<16xf32>
      %add3A_35 = arith.addf %broadcast_in_dim3A_29, %exp3A : vector<16xf32>
      %get3A_36 = arith.constant 1 : i32
      %get3A_37 = arith.index_cast %get3A_36 : i32 to index
      %get3A_38 = arith.index_cast %mul3A_12 : i32 to index
      %get3A_39 = tpu.vector_load %arg6[%get3A_37, %get3A_38] {strides = array<i32>} : memref<8x1024xf32, #tpu.memory_space<vmem>>, vector<1x16xf32>,
      %get3A_40 = vector.shape_cast %get3A_39 : vector<1x16xf32> to vector<16xf32>
      %sub3A_41 = arith.subf %get3A_40, %get3A_27 : vector<16xf32>
      %exp3A_42 = math.exp %sub3A_41 : vector<16xf32>
      %add3A_43 = arith.addf %add3A_35, %exp3A_42 : vector<16xf32>
      %get3A_44 = arith.constant 2 : i32
      %get3A_45 = arith.index_cast %get3A_44 : i32 to index
      %get3A_46 = arith.index_cast %mul3A_12 : i32 to index
      %get3A_47 = tpu.vector_load %arg6[%get3A_45, %get3A_46] {strides = array<i32>} : memref<8x1024xf32, #tpu.memory_space<vmem>>, vector<1x16xf32>,
      %get3A_48 = vector.shape_cast %get3A_47 : vector<1x16xf32> to vector<16xf32>
      %sub3A_49 = arith.subf %get3A_48, %get3A_27 : vector<16xf32>
      %exp3A_50 = math.exp %sub3A_49 : vector<16xf32>
      %add3A_51 = arith.addf %add3A_43, %exp3A_50 : vector<16xf32>
      %get3A_52 = arith.constant 3 : i32
      %get3A_53 = arith.index_cast %get3A_52 : i32 to index
      %get3A_54 = arith.index_cast %mul3A_12 : i32 to index
      %get3A_55 = tpu.vector_load %arg6[%get3A_53, %get3A_54] {strides = array<i32>} : memref<8x1024xf32, #tpu.memory_space<vmem>>, vector<1x16xf32>,
      %get3A_56 = vector.shape_cast %get3A_55 : vector<1x16xf32> to vector<16xf32>
      %sub3A_57 = arith.subf %get3A_56, %get3A_27 : vector<16xf32>
      %exp3A_58 = math.exp %sub3A_57 : vector<16xf32>
      %add3A_59 = arith.addf %add3A_51, %exp3A_58 : vector<16xf32>
      %get3A_60 = arith.constant 4 : i32
      %get3A_61 = arith.index_cast %get3A_60 : i32 to index
      %get3A_62 = arith.index_cast %mul3A_12 : i32 to index
      %get3A_63 = tpu.vector_load %arg6[%get3A_61, %get3A_62] {strides = array<i32>} : memref<8x1024xf32, #tpu.memory_space<vmem>>, vector<1x16xf32>,
      %get3A_64 = vector.shape_cast %get3A_63 : vector<1x16xf32> to vector<16xf32>
      %sub3A_65 = arith.subf %get3A_64, %get3A_27 : vector<16xf32>
      %exp3A_66 = math.exp %sub3A_65 : vector<16xf32>
      %add3A_67 = arith.addf %add3A_59, %exp3A_66 : vector<16xf32>
      %get3A_68 = arith.constant 5 : i32
      %get3A_69 = arith.index_cast %get3A_68 : i32 to index
      %get3A_70 = arith.index_cast %mul3A_12 : i32 to index
      %get3A_71 = tpu.vector_load %arg6[%get3A_69, %get3A_70] {strides = array<i32>} : memref<8x1024xf32, #tpu.memory_space<vmem>>, vector<1x16xf32>,
      %get3A_72 = vector.shape_cast %get3A_71 : vector<1x16xf32> to vector<16xf32>
      %sub3A_73 = arith.subf %get3A_72, %get3A_27 : vector<16xf32>
      %exp3A_74 = math.exp %sub3A_73 : vector<16xf32>
      %add3A_75 = arith.addf %add3A_67, %exp3A_74 : vector<16xf32>
      %get3A_76 = arith.constant 6 : i32
      %get3A_77 = arith.index_cast %get3A_76 : i32 to index
      %get3A_78 = arith.index_cast %mul3A_12 : i32 to index
      %get3A_79 = tpu.vector_load %arg6[%get3A_77, %get3A_78] {strides = array<i32>} : memref<8x1024xf32, #tpu.memory_space<vmem>>, vector<1x16xf32>,
      %get3A_80 = vector.shape_cast %get3A_79 : vector<1x16xf32> to vector<16xf32>
      %sub3A_81 = arith.subf %get3A_80, %get3A_27 : vector<16xf32>
      %exp3A_82 = math.exp %sub3A_81 : vector<16xf32>
      %add3A_83 = arith.addf %add3A_75, %exp3A_82 : vector<16xf32>
      %get3A_84 = arith.constant 7 : i32
      %get3A_85 = arith.index_cast %get3A_84 : i32 to index
      %get3A_86 = arith.index_cast %mul3A_12 : i32 to index
      %get3A_87 = tpu.vector_load %arg6[%get3A_85, %get3A_86] {strides = array<i32>} : memref<8x1024xf32, #tpu.memory_space<vmem>>, vector<1x16xf32>,
      %get3A_88 = vector.shape_cast %get3A_87 : vector<1x16xf32> to vector<16xf32>
      %sub3A_89 = arith.subf %get3A_88, %get3A_27 : vector<16xf32>
      %exp3A_90 = math.exp %sub3A_89 : vector<16xf32>
      %add3A_91 = arith.addf %add3A_83, %exp3A_90 : vector<16xf32>
      %div3A = arith.divf %exp3A, %add3A_91 : vector<16xf32>
      %swap3A = arith.constant 0 : i32
      %swap3A_92 = arith.index_cast %swap3A : i32 to index
      %swap3A_93 = arith.index_cast %mul3A_12 : i32 to index
      %swap3A_94 = tpu.vector_load %arg6[%swap3A_92, %swap3A_93] {strides = array<i32>} : memref<8x1024xf32, #tpu.memory_space<vmem>>, vector<1x16xf32>,
      %swap3A_95 = vector.shape_cast %swap3A_94 : vector<1x16xf32> to vector<16xf32>
      %swap3A_96 = vector.shape_cast %div3A : vector<16xf32> to vector<1x16xf32>
      tpu.vector_store %arg6[%swap3A_92, %swap3A_93], %swap3A_96 {strides = array<i32>} : memref<8x1024xf32, #tpu.memory_space<vmem>>, vector<1x16xf32>,
      %div3A_97 = arith.divf %exp3A_42, %add3A_91 : vector<16xf32>
      %swap3A_98 = arith.constant 1 : i32
      %swap3A_99 = arith.index_cast %swap3A_98 : i32 to index
      %swap3A_100 = arith.index_cast %mul3A_12 : i32 to index
      %swap3A_101 = tpu.vector_load %arg6[%swap3A_99, %swap3A_100] {strides = array<i32>} : memref<8x1024xf32, #tpu.memory_space<vmem>>, vector<1x16xf32>,
      %swap3A_102 = vector.shape_cast %swap3A_101 : vector<1x16xf32> to vector<16xf32>
      %swap3A_103 = vector.shape_cast %div3A_97 : vector<16xf32> to vector<1x16xf32>
      tpu.vector_store %arg6[%swap3A_99, %swap3A_100], %swap3A_103 {strides = array<i32>} : memref<8x1024xf32, #tpu.memory_space<vmem>>, vector<1x16xf32>,
      %div3A_104 = arith.divf %exp3A_50, %add3A_91 : vector<16xf32>
      %swap3A_105 = arith.constant 2 : i32
      %swap3A_106 = arith.index_cast %swap3A_105 : i32 to index
      %swap3A_107 = arith.index_cast %mul3A_12 : i32 to index
      %swap3A_108 = tpu.vector_load %arg6[%swap3A_106, %swap3A_107] {strides = array<i32>} : memref<8x1024xf32, #tpu.memory_space<vmem>>, vector<1x16xf32>,
      %swap3A_109 = vector.shape_cast %swap3A_108 : vector<1x16xf32> to vector<16xf32>
      %swap3A_110 = vector.shape_cast %div3A_104 : vector<16xf32> to vector<1x16xf32>
      tpu.vector_store %arg6[%swap3A_106, %swap3A_107], %swap3A_110 {strides = array<i32>} : memref<8x1024xf32, #tpu.memory_space<vmem>>, vector<1x16xf32>,
      %div3A_111 = arith.divf %exp3A_58, %add3A_91 : vector<16xf32>
      %swap3A_112 = arith.constant 3 : i32
      %swap3A_113 = arith.index_cast %swap3A_112 : i32 to index
      %swap3A_114 = arith.index_cast %mul3A_12 : i32 to index
      %swap3A_115 = tpu.vector_load %arg6[%swap3A_113, %swap3A_114] {strides = array<i32>} : memref<8x1024xf32, #tpu.memory_space<vmem>>, vector<1x16xf32>,
      %swap3A_116 = vector.shape_cast %swap3A_115 : vector<1x16xf32> to vector<16xf32>
      %swap3A_117 = vector.shape_cast %div3A_111 : vector<16xf32> to vector<1x16xf32>
      tpu.vector_store %arg6[%swap3A_113, %swap3A_114], %swap3A_117 {strides = array<i32>} : memref<8x1024xf32, #tpu.memory_space<vmem>>, vector<1x16xf32>,
      %div3A_118 = arith.divf %exp3A_66, %add3A_91 : vector<16xf32>
      %swap3A_119 = arith.constant 4 : i32
      %swap3A_120 = arith.index_cast %swap3A_119 : i32 to index
      %swap3A_121 = arith.index_cast %mul3A_12 : i32 to index
      %swap3A_122 = tpu.vector_load %arg6[%swap3A_120, %swap3A_121] {strides = array<i32>} : memref<8x1024xf32, #tpu.memory_space<vmem>>, vector<1x16xf32>,
      %swap3A_123 = vector.shape_cast %swap3A_122 : vector<1x16xf32> to vector<16xf32>
      %swap3A_124 = vector.shape_cast %div3A_118 : vector<16xf32> to vector<1x16xf32>
      tpu.vector_store %arg6[%swap3A_120, %swap3A_121], %swap3A_124 {strides = array<i32>} : memref<8x1024xf32, #tpu.memory_space<vmem>>, vector<1x16xf32>,
      %div3A_125 = arith.divf %exp3A_74, %add3A_91 : vector<16xf32>
      %swap3A_126 = arith.constant 5 : i32
      %swap3A_127 = arith.index_cast %swap3A_126 : i32 to index
      %swap3A_128 = arith.index_cast %mul3A_12 : i32 to index
      %swap3A_129 = tpu.vector_load %arg6[%swap3A_127, %swap3A_128] {strides = array<i32>} : memref<8x1024xf32, #tpu.memory_space<vmem>>, vector<1x16xf32>,
      %swap3A_130 = vector.shape_cast %swap3A_129 : vector<1x16xf32> to vector<16xf32>
      %swap3A_131 = vector.shape_cast %div3A_125 : vector<16xf32> to vector<1x16xf32>
      tpu.vector_store %arg6[%swap3A_127, %swap3A_128], %swap3A_131 {strides = array<i32>} : memref<8x1024xf32, #tpu.memory_space<vmem>>, vector<1x16xf32>,
      %div3A_132 = arith.divf %exp3A_82, %add3A_91 : vector<16xf32>
      %swap3A_133 = arith.constant 6 : i32
      %swap3A_134 = arith.index_cast %swap3A_133 : i32 to index
      %swap3A_135 = arith.index_cast %mul3A_12 : i32 to index
      %swap3A_136 = tpu.vector_load %arg6[%swap3A_134, %swap3A_135] {strides = array<i32>} : memref<8x1024xf32, #tpu.memory_space<vmem>>, vector<1x16xf32>,
      %swap3A_137 = vector.shape_cast %swap3A_136 : vector<1x16xf32> to vector<16xf32>
      %swap3A_138 = vector.shape_cast %div3A_132 : vector<16xf32> to vector<1x16xf32>
      tpu.vector_store %arg6[%swap3A_134, %swap3A_135], %swap3A_138 {strides = array<i32>} : memref<8x1024xf32, #tpu.memory_space<vmem>>, vector<1x16xf32>,
      %div3A_139 = arith.divf %exp3A_90, %add3A_91 : vector<16xf32>
      %swap3A_140 = arith.constant 7 : i32
      %swap3A_141 = arith.index_cast %swap3A_140 : i32 to index
      %swap3A_142 = arith.index_cast %mul3A_12 : i32 to index
      %swap3A_143 = tpu.vector_load %arg6[%swap3A_141, %swap3A_142] {strides = array<i32>} : memref<8x1024xf32, #tpu.memory_space<vmem>>, vector<1x16xf32>,
      %swap3A_144 = vector.shape_cast %swap3A_143 : vector<1x16xf32> to vector<16xf32>
      %swap3A_145 = vector.shape_cast %div3A_139 : vector<16xf32> to vector<1x16xf32>
      tpu.vector_store %arg6[%swap3A_141, %swap3A_142], %swap3A_145 {strides = array<i32>} : memref<8x1024xf32, #tpu.memory_space<vmem>>, vector<1x16xf32>,
      %scan3A_146 = arith.constant 0 : i32
      scf.yield %scan3A_146 : i32
    }
    %scan3A_8 = arith.constant 64 : i32
    "tpu.region"() ({
      %run_scoped3A = tpu.sem_alloc : memref<!tpu.dma_semaphore, #tpu.memory_space<semaphore_mem>>
      %dma_start3A = arith.constant 0 : i32
      %dma_start3A_9 = tpu.memref_slice %arg3[%dma_start3A, %mul3A_2] : memref<8x32768xf32, #tpu.memory_space<hbm>> -> memref<8x1024xf32, #tpu.memory_space<hbm>>
      %dma_start3A_10 = arith.constant 0 : i32
      %dma_start3A_11 = tpu.memref_slice %arg3[%dma_start3A_10, %mul3A_2] : memref<8x32768xf32, #tpu.memory_space<hbm>> -> memref<8x1024xf32, #tpu.memory_space<hbm>>
      tpu.enqueue_dma source(%arg6 : memref<8x1024xf32, #tpu.memory_space<vmem>>) target(%dma_start3A_11 : memref<8x1024xf32, #tpu.memory_space<hbm>>) target_semaphore(%run_scoped3A : memref<!tpu.dma_semaphore, #tpu.memory_space<semaphore_mem>>)
      %dma_wait3A = arith.constant 0 : i32
      %dma_wait3A_12 = tpu.memref_slice %arg3[%dma_wait3A, %mul3A_2] : memref<8x32768xf32, #tpu.memory_space<hbm>> -> memref<8x1024xf32, #tpu.memory_space<hbm>>
      %dma_wait3A_13 = arith.constant 0 : i32
      %dma_wait3A_14 = tpu.memref_slice %arg3[%dma_wait3A_13, %mul3A_2] : memref<8x32768xf32, #tpu.memory_space<hbm>> -> memref<8x1024xf32, #tpu.memory_space<hbm>>
      tpu.wait_dma2 semaphore(%run_scoped3A : memref<!tpu.dma_semaphore, #tpu.memory_space<semaphore_mem>>) src(%arg6 : memref<8x1024xf32, #tpu.memory_space<vmem>>) dst(%dma_wait3A_14 : memref<8x1024xf32, #tpu.memory_space<hbm>>)
      tpu.yield
    }) : () -> ()
    "tpu.region"() ({
      %run_scoped3A = tpu.sem_alloc : memref<!tpu.dma_semaphore, #tpu.memory_space<semaphore_mem>>
      %dma_start3A = arith.constant 0 : i32
      %dma_start3A_9 = tpu.memref_slice %arg4[%dma_start3A, %mul3A_2] : memref<8x32768xi32, #tpu.memory_space<hbm>> -> memref<8x1024xi32, #tpu.memory_space<hbm>>
      %dma_start3A_10 = arith.constant 0 : i32
      %dma_start3A_11 = tpu.memref_slice %arg4[%dma_start3A_10, %mul3A_2] : memref<8x32768xi32, #tpu.memory_space<hbm>> -> memref<8x1024xi32, #tpu.memory_space<hbm>>
      tpu.enqueue_dma source(%arg7 : memref<8x1024xi32, #tpu.memory_space<vmem>>) target(%dma_start3A_11 : memref<8x1024xi32, #tpu.memory_space<hbm>>) target_semaphore(%run_scoped3A : memref<!tpu.dma_semaphore, #tpu.memory_space<semaphore_mem>>)
      %dma_wait3A = arith.constant 0 : i32
      %dma_wait3A_12 = tpu.memref_slice %arg4[%dma_wait3A, %mul3A_2] : memref<8x32768xi32, #tpu.memory_space<hbm>> -> memref<8x1024xi32, #tpu.memory_space<hbm>>
      %dma_wait3A_13 = arith.constant 0 : i32
      %dma_wait3A_14 = tpu.memref_slice %arg4[%dma_wait3A_13, %mul3A_2] : memref<8x32768xi32, #tpu.memory_space<hbm>> -> memref<8x1024xi32, #tpu.memory_space<hbm>>
      tpu.wait_dma2 semaphore(%run_scoped3A : memref<!tpu.dma_semaphore, #tpu.memory_space<semaphore_mem>>) src(%arg7 : memref<8x1024xi32, #tpu.memory_space<vmem>>) dst(%dma_wait3A_14 : memref<8x1024xi32, #tpu.memory_space<hbm>>)
      tpu.yield
    }) : () -> ()
    return
  }
}

module attributes {stable_mosaic.version = 14 : i64} {
  func.func @_mm_body(%arg0: i32, %arg1: memref<4096x768xf32, #tpu.memory_space<vmem>>, %arg2: memref<64x768xf32, #tpu.memory_space<vmem>>, %arg3: memref<64x4096xf32, #tpu.memory_space<vmem>>) attributes {dimension_semantics = [#tpu.dimension_semantics<parallel>], iteration_bounds = array<i64: 8>, scalar_prefetch = 0 : i64, scratch_operands = 0 : i64, tpu.core_type = #tpu.core_type<tc>, window_params = [{transform_indices = @transform_0, window_bounds = array<i64: 4096, 768>}, {pipeline_mode = #tpu.pipeline_mode<synchronous>, transform_indices = @transform_1, window_bounds = array<i64: 64, 768>}, {transform_indices = @transform_2, window_bounds = array<i64: 64, 4096>}]} {
    %get3A = arith.constant 0 : index
    %get3A_0 = arith.constant 0 : index
    %get3A_1 = vector.load %arg1[%get3A, %get3A_0] : memref<4096x768xf32, #tpu.memory_space<vmem>>, vector<4096x768xf32>
    %get3A_2 = arith.constant 0 : index
    %get3A_3 = arith.constant 0 : index
    %get3A_4 = vector.load %arg2[%get3A_2, %get3A_3] : memref<64x768xf32, #tpu.memory_space<vmem>>, vector<64x768xf32>
    %dot_general3A = arith.constant dense<0.000000e+00> : vector<64x4096xf32>
    %dot_general3A_5 = tpu.matmul %get3A_4, %get3A_1, %dot_general3A {dimension_numbers = #tpu.dot_dimension_numbers<[1], [1], [0], [0], [0, 0, 1, 0], [], []>, transpose_lhs_hint = false} : vector<64x768xf32>, vector<4096x768xf32>, vector<64x4096xf32> -> vector<64x4096xf32>
    %swap3A = arith.constant 0 : index
    %swap3A_6 = arith.constant 0 : index
    %swap3A_7 = vector.load %arg3[%swap3A, %swap3A_6] : memref<64x4096xf32, #tpu.memory_space<vmem>>, vector<64x4096xf32>
    tpu.vector_store %arg3[%swap3A, %swap3A_6], %dot_general3A_5 {strides = array<i32>} : memref<64x4096xf32, #tpu.memory_space<vmem>>, vector<64x4096xf32>,
    return
  }
  func.func @transform_0(%arg0: i32) -> (i32, i32) {
    %c0_i32 = arith.constant 0 : i32
    %c0_i32_0 = arith.constant 0 : i32
    return %arg0, %c0_i32 : i32, i32
  }
  func.func @transform_1(%arg0: i32) -> (i32, i32) {
    %c0_i32 = arith.constant 0 : i32
    %c0_i32_0 = arith.constant 0 : i32
    %c0_i32_1 = arith.constant 0 : i32
    return %c0_i32, %c0_i32_0 : i32, i32
  }
  func.func @transform_2(%arg0: i32) -> (i32, i32) {
    %c0_i32 = arith.constant 0 : i32
    %c0_i32_0 = arith.constant 0 : i32
    return %c0_i32, %arg0 : i32, i32
  }
}

</mosaic_0001>

<sc_bundles>
// kernel: kernel.4.cloned.1.call-start
scs
__scs_entry_jumppad:
0x0: {  	(pc) =	sbr.rel $0x88, $3  }
0x1: {  	(tag) =	ssettag $0x0;
	lr =	simm.s32 $0x1  }
0x2: {  	[smem:$0x3F9F] =	sst lr;
	_ =	strace $0xD0000000  }
0x3: {  	_ = 	snop  }
0x4: {  	_ = 	snop  }
0x5: {  	_ = 	snop  }
0x6: {  	_ = 	snop  }
0x7: {  	_ = 	snop  }
__scs_overlays_trampoline_lowered:
0x8: {  	[smem:$0x3FAE] =	sst s0  }
0x9: {  	[smem:$0x3FAF] =	sst s1  }
0xa: {  	[smem:$0x3FB0] =	sst s2  }
0xb: {  	[smem:$0x3FB1] =	sst s3  }
0xc: {  	[smem:$0x3FB2] =	sst s4  }
0xd: {  	[smem:$0x3FB3] =	sst s5  }
0xe: {  	[smem:$0x3FB4] =	sst s6  }
0xf: {  	[smem:$0x3FB5] =	sst s7  }
0x10: {  	[smem:$0x3FB6] =	sst s8  }
0x11: {  	[smem:$0x3FB7] =	sst s9;
	s0 =	simm.s32 @!p0 $0x0  }
0x12: {  	s1 =	sld [smem:$0x3F9D];
	s0 =	simm.s32 @p0 $0x1  }
0x13: {  	[smem:$0x3FB8] =	sst s0;
	s0 =	simm.s32 @!p1 $0x0  }
0x14: {  	s2 =	sld [smem:$0x3F9C];
	s0 =	simm.s32 @p1 $0x1  }
0x15: {  	[smem:$0x3FB9] =	sst s0;
	s0 =	simm.s32 @!p2 $0x0  }
0x16: {  	s3 =	sld [smem:$0x3FDB];
	s0 =	simm.s32 @p2 $0x1  }
0x17: {  	s4 =	simm.s32 $0x1BF5;
	[smem:$0x3FBB] =	sst s0  }
0x18: {  	s0 =	sld [smem:$0x3F9E];
	_ =	swait.ge [sflag:s4], $0x0  }
0x19: {  	s7 =	sld [smem:$0x3F9F]  }
0x1a: {  	s8 =	sadd.s32 $0xFFFFE003, lr  }
0x1b: {  	s9 =	sadd.s32 $0xFFFFFEF7, lr;
	s5 =	simm.s32 $0xFFFFFFFF;
	p2 =	slt.u32 s8, $0xFFFFF086  }
0x1c: {  	p1 =	slt.u32 s9, $0xF7A;
	s5 =	simm.s32 @!p2 $0x0  }
0x1d: {  	s5 =	simm.s32 @p1 $0x1;
	p0 =	seq.s32 s7, s2  }
0x1e: {  	s7 =	smul.u32 @!p0 $0xF7A, s2;
	p2 =	seq.s32 @!p0 s5, $0x0  }
0x1f: {  	s9 =	smul.u32 $0xF7A, s1;
	s8 =	simm.s32 @!p0 $0x1BF5;
	p2 =	por !p2, p0  }
0x20: {  	[sflag:s8] =	ssyncset.s32 @!p0 $0xFFFFF086;
	s6 =	sadd.s32 @!p0 s3, s7;
	s7 =	simm.s32 @!p0 $0x108  }
0x21: {  	s3 =	sadd.s32 s3, s9;
	s6 =	sadd.s32 @!p0 $0x88, s6;
	s7 =	simm.s32 @p2 $0x1082  }
0x22: {  	[simem:s7], [sflag:s8] =	dma.local @!p0 [hbm:s6], $0xF7A  }
0x23: {  	s9 =	sor.u32 $0xD0000000, s2;
	s6 =	simm.s32 $0x108;
	_ =	swait.ge @!p0 [sflag:s8], $0x0  }
0x24: {  	s3 =	sadd.s32 $0x88, s3;
	s6 =	simm.s32 @!p1 $0x1082;
	[sflag:s4] =	ssyncset.s32 $0xFFFFF086  }
0x25: {  	[simem:s6], [sflag:s4] =	dma.local [hbm:s3], $0xF7A  }
0x26: {  	[smem:$0x3F9F] =	sst s1;
	(tag) =	ssettag s2;
	_ =	strace s9  }
0x27: {  	s1 =	sld [smem:$0x3FAF]  }
0x28: {  	s2 =	sld [smem:$0x3FB0]  }
0x29: {  	s4 =	sld [smem:$0x3FB2]  }
0x2a: {  	p0 =	seq.s32 s5, $0x0;
	s5 =	sld [smem:$0x3FB3]  }
0x2b: {  	s6 =	sld [smem:$0x3FB4]  }
0x2c: {  	s7 =	sld [smem:$0x3FB5]  }
0x2d: {  	s3 =	simm.s32 $0x108;
	s8 =	sld [smem:$0x3FB6]  }
0x2e: {  	s3 =	simm.s32 @!p0 $0x1082;
	s9 =	sld [smem:$0x3FB7]  }
0x2f: {  	lr =	sadd.s32 s0, s3;
	s0 =	sld [smem:$0x3FAE]  }
0x30: {  	s3 =	sld [smem:$0x3FB1]  }
0x31: {  	[smem:$0x3FBA] =	sst s10  }
0x32: {  	s10 =	sld [smem:$0x3FB8];
	_ =	sdelay $0x3  }
0x33: {  	p0 =	seq.s32 s10, $0x1;
	s10 =	sld [smem:$0x3FBA];
	_ =	sdelay $0x3  }
0x34: {  	[smem:$0x3FBA] =	sst s10  }
0x35: {  	s10 =	sld [smem:$0x3FB9];
	_ =	sdelay $0x3  }
0x36: {  	p1 =	seq.s32 s10, $0x1;
	s10 =	sld [smem:$0x3FBA];
	_ =	sdelay $0x3  }
0x37: {  	[smem:$0x3FBA] =	sst s10  }
0x38: {  	s10 =	sld [smem:$0x3FBB]  }
0x39: {  	_ = 	snop;
	(pc) =	sbr.ind lr, $3  }
0x3a: {  	_ = 	snop  }
0x3b: {  	_ = 	snop  }
0x3c: {  	p2 =	seq.s32 s10, $0x1;
	s10 =	sld [smem:$0x3FBA]  }
0x3d: {  	_ =	shalt  }
0x3e: {  	_ =	shalt  }
0x3f: {  	_ =	shalt  }
0x40: {  	_ =	shalt  }
0x41: {  	_ =	shalt  }
0x42: {  	_ =	shalt  }
0x43: {  	_ =	shalt  }
0x44: {  	_ =	shalt  }
0x45: {  	_ =	shalt  }
0x46: {  	_ =	shalt  }
0x47: {  	_ =	shalt  }
0x48: {  	_ =	shalt  }
0x49: {  	_ =	shalt  }
0x4a: {  	_ =	shalt  }
0x4b: {  	_ =	shalt  }
0x4c: {  	_ =	shalt  }
0x4d: {  	_ =	shalt  }
0x4e: {  	_ =	shalt  }
0x4f: {  	_ =	shalt  }
0x50: {  	_ =	shalt  }
0x51: {  	_ =	shalt  }
0x52: {  	_ =	shalt  }
0x53: {  	_ =	shalt  }
0x54: {  	_ =	shalt  }
0x55: {  	_ =	shalt  }
0x56: {  	_ =	shalt  }
0x57: {  	_ =	shalt  }
0x58: {  	_ =	shalt  }
0x59: {  	_ =	shalt  }
0x5a: {  	_ =	shalt  }
0x5b: {  	_ =	shalt  }
0x5c: {  	_ =	shalt  }
0x5d: {  	_ =	shalt  }
0x5e: {  	_ =	shalt  }
0x5f: {  	_ =	shalt  }
0x60: {  	_ =	shalt  }
0x61: {  	_ =	shalt  }
0x62: {  	_ =	shalt  }
0x63: {  	_ =	shalt  }
0x64: {  	_ =	shalt  }
0x65: {  	_ =	shalt  }
0x66: {  	_ =	shalt  }
0x67: {  	_ =	shalt  }
0x68: {  	_ =	shalt  }
0x69: {  	_ =	shalt  }
0x6a: {  	_ =	shalt  }
0x6b: {  	_ =	shalt  }
0x6c: {  	_ =	shalt  }
0x6d: {  	_ =	shalt  }
0x6e: {  	_ =	shalt  }
0x6f: {  	_ =	shalt  }
0x70: {  	_ =	shalt  }
0x71: {  	_ =	shalt  }
0x72: {  	_ =	shalt  }
0x73: {  	_ =	shalt  }
0x74: {  	_ =	shalt  }
0x75: {  	_ =	shalt  }
0x76: {  	_ =	shalt  }
0x77: {  	_ =	shalt  }
0x78: {  	_ =	shalt  }
0x79: {  	_ =	shalt  }
0x7a: {  	_ =	shalt  }
0x7b: {  	_ =	shalt  }
0x7c: {  	_ =	shalt  }
0x7d: {  	_ =	shalt  }
0x7e: {  	_ =	shalt  }
0x7f: {  	_ =	shalt  }
0x80: {  	_ =	shalt  }
0x81: {  	_ =	shalt  }
0x82: {  	_ =	shalt  }
0x83: {  	_ =	shalt  }
0x84: {  	_ =	shalt  }
0x85: {  	_ =	shalt  }
0x86: {  	_ =	shalt  }
0x87: {  	_ =	shalt  }
.Lfunc_end0:
.L_simem_size_0:
called_computation_lowered:
.L_overlay_start_0:
0x88: {  	s2 =	sld [smem:$0x3FD9]  }
0x89: {  	s3 =	sld [smem:$0x3FFE];
	_ =	sdelay $0x1  }
0x8a: {  	s1 =	srdreg.scid  }
0x8b: {  	s0 =	sand.u32 $0x1, s1  }
0x8c: {  	s14 =	sshll.u32 s0, $0xA;
	s2 =	sadd.s32 s3, s2  }
0x8d: {  	s2 =	sadd.s32 s2, s14  }
0x8e: {  	[smem:$0x3FC6] =	sst s2  }
0x8f: {  	_ = 	snop  }
0x90: {  	s2 =	sld [smem:$0x3FD0];
	_ =	sdelay $0x2  }
0x91: {  	s15 =	simm.s32 $0xA;
	s4 =	simm.s32 $0x10  }
0x92: {  	[smem:s4], [sflag:s15] =	dma.local [hbm:s2], $0x1  }
0x93: {  	_ =	swait.eq [sflag:s15], $0x1  }
0x94: {  	[sflag:s15] =	ssyncset.done $0x0  }
0x95: {  	s16 =	sld [smem:$0x10];
	[sflag:s15] =	ssyncadd.s32 $0xFFFFFFFF  }
0x96: {  	s17 =	sld [smem:$0x11];
	(tm) =	ssettm $0x1  }
0x97: {  	s18 =	sld [smem:$0x3FFB];
	_ =	sdelay $0x3  }
0x98: {  	_ =	strace s18  }
0x99: {  	s4 =	sld [smem:$0x3FFC];
	_ =	sdelay $0x3  }
0x9a: {  	_ =	strace s4  }
0x9b: {  	s4 =	sld [smem:$0x3FFD];
	_ =	sdelay $0x3  }
0x9c: {  	_ =	strace s4  }
0x9d: {  	_ =	strace $0x8FFFFFFF  }
0x9e: {  	s19 =	sld [smem:$0x3FDB];
	_ =	sdelay $0x1  }
0x9f: {  	s5 =	simm.s32 $_scs_section_size  }
0xa0: {  	s6 =	simm.s32 $_size__tile_overlayer_lowered;
	s7 =	simm.s32 $_tile_overlayer_lowered  }
0xa1: {  	s22 =	simm.s32 $0x1BFF;
	s21 =	sshll.u32 s7, $0x1;
	s4 =	sadd.s32 s5, s19  }
0xa2: {  	s8 =	simm.s32 $0x0;
	s20 =	sshll.u32 s6, $0x1;
	s6 =	sadd.s32 s21, s4  }
0xa3: {  	[timem:s8], [sflag:s22] =	dma.local [hbm:s6], s20  }
0xa4: {  	_ =	swait.ge [sflag:s22], s20  }
0xa5: {  	s5 =	ssub.s32 $0x0, s20;
	[sflag:s22] =	ssyncset.done $0x0  }
0xa6: {  	[sflag:s22] =	ssyncadd.s32 s5;
	_ =	sdelay $0x1  }
0xa7: {  	s23 =	simm.s32 $0x1B8B  }
0xa8: {  	_ =	swait.ge [sflag:s23], $0x1  }
0xa9: {  	[sflag:s23] =	ssyncset.done $0x0  }
0xaa: {  	s25 =	simm.s32 $0x1B8E;
	s24 =	sld [smem:$0x3FFE];
	[sflag:s23] =	ssyncadd.s32 $0xFFFFFFFF  }
0xab: {  	s26 =	simm.s32 $execute0_lowered;
	[smem:$0x3FD2] =	sst s25  }
0xac: {  	s6 =	sshll.u32 s26, $0x1;
	_ =	strace $0x80000046;
	[dreg:$0x1] =	wrdreg $0xFFFFFFFF  }
0xad: {  	s28 =	simm.s32 $_size_execute0_lowered;
	s4 =	sadd.s32 s4, s6;
	[dreg:$0x0] =	wrdreg $0x0  }
0xae: {  	s6 =	sshll.u32 s28, $0x1;
	[dreg:$0x2] =	wrdreg s4  }
0xaf: {  	[dreg:$0x3] =	wrdreg s6  }
0xb0: {  	[dreg:$0x4] =	wrdreg $0xC0  }
0xb1: {  	_ =	task [dreg:s8], $0x5FFFF  }
0xb2: {  	[dreg:$0x1] =	wrdreg $0xFFFFFFFF  }
0xb3: {  	[dreg:$0x0] =	wrdreg $0x60  }
0xb4: {  	[dreg:$0x2] =	wrdreg s24  }
0xb5: {  	[dreg:$0x3] =	wrdreg s16  }
0xb6: {  	[dreg:$0x4] =	wrdreg s17  }
0xb7: {  	[dreg:$0x5] =	wrdreg $0x9  }
0xb8: {  	_ =	task.clear_ibuf [dreg:s8], $0x6FFFF;
	_ =	strace $0x90000046  }
0xb9: {  	s29 =	simm.s32 $0x9;
	_ =	strace $0x80000048  }
0xba: {  	_ =	swait.ge [sflag:s29], $0x1  }
0xbb: {  	[sflag:s29] =	ssyncadd.s32 $0xFFFFFFFF  }
0xbc: {  	_ =	strace $0x90000048  }
0xbd: {  	_ =	sfence  }
0xbe: {  	s30 =	sld [smem:$0x0];
	_ =	sdelay $0x2  }
0xbf: {  	s31 =	sshll.u32 s1, $0xD;
	s1 =	sshrl.u32 s1, $0x2  }
0xc0: {  	s3 =	sand.u32 $0x4000, s31;
	s1 =	sadd.s32 s1, s30  }
0xc1: {  	s0 =	sor.u32 s3, s0;
	s1 =	sshll.u32 s1, $0x11  }
0xc2: {  	s0 =	sor.u32 s1, s0  }
0xc3: {  	s0 =	sadd.s32 $0x8F2B, s0  }
0xc4: {  	[sflag:s0] =	ssyncadd.remote.s32 $0x1  }
0xc5: {  	_ =	sfence.sel $0xFFFF  }
0xc6: {  	[dreg:$0x0] =	wrdreg $0xFFFFFFFF;
	(pc) =	sbr.abs _section_cstart, $3  }
0xc7: {  	[dreg:$0x1] =	wrdreg $0xFFFFFFFF  }
0xc8: {  	_ =	task.clear_ibuf [dreg:s8], $0x2FFFF;
	_ =	strace $0x9FFFFFFF  }
0xc9: {  	(tm) =	ssettm $0x7FFFFFFF  }
tec
execute0_lowered:
.L_overlay_start_1:
0x0: {  	(tag) =	ssettag $0x1  }
0x1: {  	s3 =	rddreg [dreg:$0x0]  }
0x2: {  	s4 =	rddreg [dreg:$0x1]  }
0x3: {  	s0 =	srdreg.scid;
	s5 =	rddreg [dreg:$0x2]  }
0x4: {  	s1 =	stileid.u32;
	s2 =	simm.s32 $0x0;
	s9 =	simm.s32 $0x1  }
0x5: {  	s10 =	simm.s32 $0x10000;
	s11 =	simm.s32 $0x12000;
	s12 =	simm.s32 $0x0  }
0x6: {  	s19 =	simm.s32 $0x0;
	s6 =	sand.u32 $0x1, s0;
	s0 =	rddreg [dreg:$0x3]  }
0x7: {  	s7 =	sshll.u32 s1, $0xB;
	[smem:$0x7FF] =	sst s2;
	s8 =	sshll.u32 s6, $0xA  }
0x8: {  	s6 =	ssub.s32 $0x2, s6;
	_ =	strace $0x80000047;
	s7 =	sor.u32 s8, s7  }
0x9: {  	s31 =	sshrl.u32 s6, $0x1;
	s8 =	simm.s32 $0x40000;
	s3 =	sadd.s32 s7, s3  }
0xa: {  	s6 =	ssub.s32 s6, s31;
	s4 =	sadd.s32 s4, s7;
	s5 =	sadd.s32 s5, s7  }
0xb: {  	s7 =	simm.s32 $0x2000;
	s3 =	sadd.s32 $0xC00, s3;
	s6 =	smax.u32 s6, $0x1  }
.LBB2_1:
0xc: {  	[tilespmem:s2], [sflag:$0x1] =	stream.strided.gather [hbm4b:s3+s7], $0x10000, s8, s7, $0x38;
	[tilespmem:$0x14000] =	vst v63  }
0xd: {  	_ =	swait.ge [sflag:s9], $0x10000  }
0xe: {  	[sflag:s9] =	ssyncset.done $0x0  }
0xf: {  	s13 =	simm.s32 $0x0;
	[sflag:s9] =	ssyncadd.s32 $0xFFFF0000  }
.LBB2_2:
0x10: {  	s14 =	sshll.u32 s13, $0x4  }
0x11: {  	s15 =	sshll.u32 s13, $0x7;
	s16 =	sand.u32 $0x70, s14  }
0x12: {  	s18 =	sand.u32 $0x38, s13;
	v2 =	vimm.f32 $+Inf;
	v1 =	vimm.f32 $-1.000000000e+00;
	s20 =	simm.s32 $0x0;
	s17 =	sand.u32 $0x1C00, s15;
	v0 =	vmov s16  }
.LBB2_3:
0x13: {  	_ = 	snop  }
0x14: {  	s21 =	sand.u32 $0xE000, s19  }
0x15: {  	s22 =	sand.u32 $0x380, s19;
	s21 =	sor.u32 s21, s17  }
0x16: {  	s21 =	sadd.s32 s22, s21  }
0x17: {  	v6 =	vld.idx.msk [tilespmem:v0+s21+$0x0 ss:$0x1], $0xffff;
	_ =	sdelay $0x1  }
0x18: {  	s21 =	scvt.s32.f32 s19  }
0x19: {  	s31 =	simm.s32 $0x400  }
0x1a: {  	s23 =	simm.s32 $0x80;
	s22 =	sand.u32 $0xE000, s31;
	v3 =	vmov s21  }
0x1b: {  	s23 =	sand.u32 $0x380, s23;
	s24 =	sor.u32 s22, s17;
	vm1 =	vgt.f32 v3, v1;
	vm0 =	veq.f32 v6, v2  }
0x1c: {  	s25 =	simm.s32 $0x1;
	s22 =	simm.s32 $0x2;
	s23 =	sadd.s32 s23, s24;
	vm2 =	vlt.f32 v6, v2;
	vm0 =	vmand vm1, vm0  }
0x1d: {  	v5 =	vimm.f32 $-1.000000000e+00;
	s24 =	simm.s32 $0x100;
	v4 =	vld.idx.msk [tilespmem:v0+s23+$0x0 ss:$0x1], $0xffff;
	s23 =	scvt.s32.f32 s25;
	s25 =	simm.s32 $0x800;
	v3 =	vimm.f32 $-Inf;
	vm0 =	vmor vm2, vm0  }
.LBB2_4:
0x1e: {  	s26 =	sand.u32 $0xE000, s25  }
0x1f: {  	p0 =	sne.s32 s22, $0x3F;
	v6 =	vnsel vm0, $0xFF800000, v6;
	s28 =	smov.u32 s22;
	s22 =	sadd.s32 $0x1, s22  }
.Ltmp0:
0x20: {  	s29 =	sand.u32 $0x380, s24;
	s26 =	sor.u32 s26, s17;
	vm0 =	vgt.f32 v6, v3;
	(pc) =	sbr.rel @p0 .LBB2_4-.Ltmp0, $4  }
0x21: {  	v7 =	vmov s23;
	s26 =	sadd.s32 s29, s26;
	v3 =	vsel vm0, v6, v3;
	v5 =	vsel vm0, s21, v5;
	s21 =	smov.u32 s23  }
0x22: {  	vm0 =	veq.f32 v4, v2;
	vm1 =	vgt.f32 v7, v1;
	v6 =	vmov v4;
	v4 =	vld.idx.msk [tilespmem:v0+s26+$0x0 ss:$0x1], $0xffff  }
0x23: {  	vm0 =	vmand vm1, vm0;
	vm2 =	vlt.f32 v6, v2  }
0x24: {  	s24 =	sadd.s32 $0x80, s24;
	s25 =	sadd.s32 $0x400, s25;
	s23 =	scvt.s32.f32 s28;
	vm0 =	vmor vm2, vm0  }
0x25: {  	_ = 	snop  }
0x26: {  	v7 =	vmov s23  }
0x27: {  	vm1 =	vgt.f32 v7, v1;
	vm2 =	veq.f32 v4, v2  }
0x28: {  	v1 =	vnsel vm0, $0xFF800000, v6;
	vm14 =	vlt.f32 v4, v2;
	vm1 =	vmand vm1, vm2  }
0x29: {  	vm15 =	vgt.f32 v1, v3;
	vm0 =	vmor vm14, vm1  }
0x2a: {  	s31 =	sadd.s32 s18, s20;
	s20 =	sadd.s32 $0x1, s20;
	v2 =	vsel vm15, v1, v3;
	v3 =	vnsel vm0, $0xFF800000, v4  }
0x2b: {  	p0 =	sne.s32 s20, $0x8;
	v1 =	vsel vm15, s21, v5;
	vm0 =	vgt.f32 v3, v2  }
.Ltmp1:
0x2c: {  	v1 =	vsel vm0, s23, v1;
	(pc) =	sbr.rel @p0 .LBB2_3-.Ltmp1, $4  }
0x2d: {  	s21 =	sshll.u32 s31, $0x7;
	v63 =	vtrunc.f32 v1  }
0x2e: {  	s21 =	sor.u32 s16, s21;
	v2 =	vsel vm0, v3, v2;
	v3 =	vcvt.f32.s32 v63  }
0x2f: {  	[tilespmem:s21+$0x10000] =	vst v2  }
0x30: {  	[tilespmem:s21+$0x12000] =	vst v3  }
0x31: {  	s16 =	sadd.s32 s16, s17  }
0x32: {  	v0 =	vld [tilespmem:s16+$0x10000];
	_ =	sdelay $0x2  }
0x33: {  	v1 =	vld [tilespmem:s16+$0x10080];
	_ =	sdelay $0x1  }
0x34: {  	v3 =	vld [tilespmem:s16+$0x10100];
	v2 =	vsub.f32 v0, v0;
	_ =	sdelay $0x1  }
0x35: {  	v4 =	vld [tilespmem:s16+$0x10180];
	v2 =	vmul.f32 $1.442695020e+00, v2  }
0x36: {  	v1 =	vsub.f32 v1, v0  }
0x37: {  	v42 =	vld [tilespmem:s16+$0x10200];
	(erf) = vpow2.f32 v2  }
0x38: {  	v3 =	vsub.f32 v3, v0;
	v1 =	vmul.f32 $1.442695020e+00, v1  }
0x39: {  	v5 =	vld [tilespmem:s16+$0x10280]  }
0x3a: {  	v45 =	vld [tilespmem:s16+$0x10300];
	v44 =	vsub.f32 v4, v0;
	v43 =	vmul.f32 $1.442695020e+00, v3;
	(erf) = vpow2.f32 v1  }
0x3b: {  	s14 =	sor.u32 s15, s14  }
0x3c: {  	s14 =	sor.u32 $0x380, s14;
	v46 =	vmul.f32 $1.442695020e+00, v44;
	v2 =	vsub.f32 v42, v0;
	(erf) = vpow2.f32 v43  }
0x3d: {  	v47 =	vld [tilespmem:s14+$0x10000]  }
0x3e: {  	v49 =	vsub.f32 v5, v0;
	v48 =	vmul.f32 $1.442695020e+00, v2;
	(erf) = vpow2.f32 v46  }
0x3f: {  	v52 =	vsub.f32 v45, v0  }
0x40: {  	v51 =	vmul.f32 $1.442695020e+00, v49;
	v50 =	vpop (erf);
	(erf) = vpow2.f32 v48  }
0x41: {  	v54 =	vmul.f32 $1.442695020e+00, v52  }
0x42: {  	v0 =	vsub.f32 v47, v0;
	v53 =	vadd.f32 $0.0e+00, v50;
	(erf) = vpow2.f32 v51  }
0x43: {  	v55 =	vpop (erf)  }
0x44: {  	v0 =	vmul.f32 $1.442695020e+00, v0;
	(erf) = vpow2.f32 v54;
	v56 =	vadd.f32 v55, v53  }
0x45: {  	v57 =	vpop (erf)  }
0x46: {  	(erf) = vpow2.f32 v0;
	v3 =	vadd.f32 v57, v56  }
0x47: {  	v58 =	vpop (erf)  }
0x48: {  	v3 =	vadd.f32 v58, v3  }
0x49: {  	v59 =	vpop (erf)  }
0x4a: {  	v3 =	vadd.f32 v59, v3  }
0x4b: {  	v6 =	vpop (erf)  }
0x4c: {  	v3 =	vadd.f32 v6, v3  }
0x4d: {  	v7 =	vpop (erf)  }
0x4e: {  	v3 =	vadd.f32 v7, v3  }
0x4f: {  	v8 =	vpop (erf)  }
0x50: {  	v3 =	vadd.f32 v8, v3;
	_ =	sdelay $0x1  }
0x51: {  	(erf) = vrcp.f32 v3;
	_ =	sdelay $0x8  }
0x52: {  	v3 =	vpop (erf)  }
0x53: {  	v5 =	vmul.f32 v3, v50  }
0x54: {  	v2 =	vmul.f32 v3, v55  }
0x55: {  	v1 =	vmul.f32 v3, v57;
	[tilespmem:s16+$0x10000] =	vst v5  }
0x56: {  	s13 =	sadd.s32 $0x1, s13;
	v0 =	vmul.f32 v3, v58;
	[tilespmem:s16+$0x10080] =	vst v2  }
0x57: {  	p0 =	sne.s32 s13, $0x40;
	v60 =	vmul.f32 v3, v59;
	[tilespmem:s16+$0x10100] =	vst v1  }
.Ltmp2:
0x58: {  	v61 =	vmul.f32 v3, v6;
	[tilespmem:s16+$0x10180] =	vst v0;
	(pc) =	sbr.rel @p0 .LBB2_2-.Ltmp2, $4  }
0x59: {  	v62 =	vmul.f32 v3, v7;
	[tilespmem:s16+$0x10200] =	vst v60  }
0x5a: {  	v63 =	vmul.f32 v3, v8;
	[tilespmem:s16+$0x10280] =	vst v61  }
0x5b: {  	[tilespmem:s16+$0x10300] =	vst v62  }
0x5c: {  	[tilespmem:s14+$0x10000] =	vst v63  }
0x5d: {  	[hbm4b:s4+s2] =	stream.linear.scatter [tilespmem:s10], [sflag:$0x1], $0x2000, $0x38;
	[tilespmem:$0x14000] =	vst v63  }
0x5e: {  	s12 =	sadd.s32 $0x1, s12;
	_ =	swait.ge [sflag:s9], $0x2000  }
0x5f: {  	p0 =	sne.s32 s12, s6;
	[sflag:s9] =	ssyncset.done $0x0  }
.Ltmp3:
0x60: {  	[sflag:s9] =	ssyncadd.s32 $0xFFFFE000;
	(pc) =	sbr.rel @p0 .LBB2_1-.Ltmp3, $4  }
0x61: {  	[hbm4b:s5+s2] =	stream.linear.scatter [tilespmem:s11], [sflag:$0x1], $0x2000, $0x38;
	[tilespmem:$0x14000] =	vst v63  }
0x62: {  	_ =	swait.ge [sflag:s9], $0x2000  }
0x63: {  	[sflag:s9] =	ssyncset.done $0x0  }
0x64: {  	[sflag:s9] =	ssyncadd.s32 $0xFFFFE000  }
0x65: {  	_ =	sfence.sel $0x180000  }
0x66: {  	[bflag:$0x0] =	sbarrier.arrive $0xFFFF  }
0x67: {  	p0 =	sne.s32 s1, $0x0;
	_ =	strace $0x90000047  }
0x68: {  	s0 =	sadd.s32 @!p0 $0x100000, s0;
	[bflag:$0x2] =	sbarrier.arrive $0xFFFF  }
0x69: {  	[sflag:s0] =	ssyncadd.tile.s32 @!p0 $0x1;
	_ =	shalt  }
.Lfunc_end2:
_tile_overlayer_lowered:
.L_overlay_start_2:
0x6a: {  	(tag) =	ssettag $0x2  }
0x6b: {  	s0 =	rddreg [dreg:$0x0];
	s2 =	stileid.u32  }
0x6c: {  	s1 =	rddreg [dreg:$0x1];
	p0 =	sne.s32 s2, $0x0  }
0x6d: {  	s3 =	rddreg [dreg:$0x2];
	[bflag:$0x3] =	sbarrier.arrive $0xFFFF;
	s2 =	simm.s32 @!p0 $0x1C01  }
0x6e: {  	[timem:s3], [sflag:s2] =	dma.local @!p0 [hbm:s0], s1  }
0x6f: {  	s0 =	simm.s32 @!p0 $0x1  }
0x70: {  	_ =	swait.ge @!p0 [sflag:s0], s1  }
0x71: {  	s1 =	ssub.s32 @!p0 $0x0, s1;
	[sflag:s0] =	ssyncset.done @!p0 $0x0  }
0x72: {  	[sflag:s0] =	ssyncadd.s32 @!p0 s1  }
0x73: {  	[bflag:$0x3] =	sbarrier.arrive $0xFFFF  }
0x74: {  	_ =	shalt  }

</sc_bundles>
